<compile_context>
chip_gen: v7x
topology: tpu7x:2x2x1
jax: 0.10.2.dev20260603
libtpu: 0.0.44.dev20260713+nightly
codegen_flags: <defaults>
</compile_context>

<pallas_src>
import functools

import jax
import jax.numpy as jnp
from jax import lax
from jax.experimental import pallas as pl
from jax.experimental.pallas import tpu as pltpu
from jax.experimental.pallas import tpu_sc as plsc

_ROWS = 8192
_D = 768
_BATCH = 4
_NC = 2
_NS = 16
_NW = _NC * _NS
_RPW = _ROWS // _NW
_CH = 128
_NCH = _RPW // _CH
_NBUF = 1

_mesh = plsc.VectorSubcoreMesh(core_axis_name="c", subcore_axis_name="s")


@functools.partial(
    pl.kernel,
    out_type=jax.ShapeDtypeStruct((_BATCH, _ROWS, _D), jnp.float32),
    mesh=_mesh,
    scratch_types=[
        pltpu.VMEM((_NBUF, _CH, _D), jnp.float32),
    ] + [pltpu.SemaphoreType.DMA] * (2 * _NBUF),
)
def _sc_tile_copy(emb_hbm, out_hbm, bufs, *sems):
    rsems = sems[:_NBUF]
    wsems = sems[_NBUF:]
    wid = lax.axis_index("c") * _NS + lax.axis_index("s")
    base = wid * _RPW

    def rd(i):
        return pltpu.make_async_copy(
            emb_hbm.at[pl.ds(base + i * _CH, _CH)], bufs.at[i % _NBUF],
            rsems[i % _NBUF])

    def wr(i, b):
        return pltpu.make_async_copy(
            bufs.at[i % _NBUF], out_hbm.at[b, pl.ds(base + i * _CH, _CH)],
            wsems[i % _NBUF])

    rd(0).start()
    for i in range(_NCH):
        rd(i).wait()
        for b in range(_BATCH):
            wr(i, b).start()
        for b in range(_BATCH):
            wr(i, b).wait()
        if i + 1 < _NCH:
            rd(i + 1).start()


def kernel(B, T, emb):
    del B, T
    return _sc_tile_copy(emb)

# --- scband reference (transcript-rebuilt; emitter-appended) ---
"""Pipeline reference for scband-position-embedding-34849364639856 (READ-ONLY COPY).

The authoritative reference and input builder live on the scoring server;
editing this copy changes nothing except your own understanding.
"""

import jax, jax.numpy as jnp
import numpy as np

MAX_LEN = 8192
D_MODEL = 768

def setup_inputs(seed: int = 0) -> dict:
    key = jax.random.key(seed)
    emb = jax.random.normal(key, (MAX_LEN, D_MODEL), dtype=jnp.float32)
    return {"B": 4, "T": 8192, "emb": emb}

def reference(B, T, emb):
    T_static = emb.shape[0]
    pos = jnp.arange(T_static)[None, :]
    pos = jnp.broadcast_to(pos, (4, T_static))
    pos = pos + (B - B) + (T - T)
    return jnp.take(emb, pos, axis=0)

if __name__ == "__main__":
    import jax
    _d = setup_inputs()
    print(jax.jit(kernel)(*tuple(_d.values())))

</pallas_src>

<mosaic_0001>
#map = affine_map<(d0, d1) -> (0, 0)>
#map1 = affine_map<(d0, d1) -> (0, 0, 0)>
module attributes {stable_mosaic.version = 14 : i64} {
  func.func @_sc_tile_copy(%arg0: i32, %arg1: i32, %arg2: memref<8192x768xf32, #tpu.memory_space<hbm>>, %arg3: memref<4x8192x768xf32, #tpu.memory_space<hbm>>, %arg4: memref<1x128x768xf32, #tpu.memory_space<vmem>>, %arg5: memref<!tpu.dma_semaphore, #tpu.memory_space<semaphore_mem>>, %arg6: memref<!tpu.dma_semaphore, #tpu.memory_space<semaphore_mem>>) attributes {dimension_semantics = [#tpu.dimension_semantics<core_parallel>, #tpu.dimension_semantics<subcore_parallel>], iteration_bounds = array<i64: 2, 16>, scalar_prefetch = 0 : i64, scratch_operands = 3 : i64, tpu.core_type = #tpu.core_type<sc_vector_subcore>, window_params = [{transform_indices = #map}, {transform_indices = #map1}]} {
    %mul3A = arith.constant 16 : i32
    %mul3A_0 = arith.muli %arg0, %mul3A : i32
    %add3A = arith.addi %mul3A_0, %arg1 : i32
    %mul3A_1 = arith.constant 256 : i32
    %mul3A_2 = arith.muli %add3A, %mul3A_1 : i32
    %add3A_3 = arith.constant 0 : i32
    %add3A_4 = arith.addi %mul3A_2, %add3A_3 : i32
    %dma_start3A = arith.constant 0 : i32
    %dma_start3A_5 = arith.constant 0 : i32
    %dma_start3A_6 = arith.constant 0 : i32
    %dma_start3A_7 = tpu.memref_slice %arg4[%dma_start3A, %dma_start3A_5, %dma_start3A_6] : memref<1x128x768xf32, #tpu.memory_space<vmem>> -> memref<1x128x768xf32, #tpu.memory_space<vmem>>
    %dma_start3A_8 = tpu.memref_squeeze %dma_start3A_7 : memref<1x128x768xf32, #tpu.memory_space<vmem>> -> memref<128x768xf32, #tpu.memory_space<vmem>>
    %dma_start3A_9 = arith.constant 0 : i32
    %dma_start3A_10 = tpu.memref_slice %arg2[%add3A_4, %dma_start3A_9] : memref<8192x768xf32, #tpu.memory_space<hbm>> -> memref<128x768xf32, #tpu.memory_space<hbm>>
    %dma_start3A_11 = arith.constant 0 : i32
    %dma_start3A_12 = arith.constant 0 : i32
    %dma_start3A_13 = tpu.memref_slice %arg4[%dma_start3A, %dma_start3A_11, %dma_start3A_12] : memref<1x128x768xf32, #tpu.memory_space<vmem>> -> memref<1x128x768xf32, #tpu.memory_space<vmem>>
    %dma_start3A_14 = tpu.memref_squeeze %dma_start3A_13 : memref<1x128x768xf32, #tpu.memory_space<vmem>> -> memref<128x768xf32, #tpu.memory_space<vmem>>
    %dma_start3A_15 = arith.constant 0 : i32
    %dma_start3A_16 = tpu.memref_slice %arg2[%add3A_4, %dma_start3A_15] : memref<8192x768xf32, #tpu.memory_space<hbm>> -> memref<128x768xf32, #tpu.memory_space<hbm>>
    tpu.enqueue_dma source(%dma_start3A_16 : memref<128x768xf32, #tpu.memory_space<hbm>>) target(%dma_start3A_14 : memref<128x768xf32, #tpu.memory_space<vmem>>) target_semaphore(%arg5 : memref<!tpu.dma_semaphore, #tpu.memory_space<semaphore_mem>>)
    %add3A_17 = arith.constant 0 : i32
    %add3A_18 = arith.addi %mul3A_2, %add3A_17 : i32
    %dma_wait3A = arith.constant 0 : i32
    %dma_wait3A_19 = arith.constant 0 : i32
    %dma_wait3A_20 = arith.constant 0 : i32
    %dma_wait3A_21 = tpu.memref_slice %arg4[%dma_wait3A, %dma_wait3A_19, %dma_wait3A_20] : memref<1x128x768xf32, #tpu.memory_space<vmem>> -> memref<1x128x768xf32, #tpu.memory_space<vmem>>
    %dma_wait3A_22 = tpu.memref_squeeze %dma_wait3A_21 : memref<1x128x768xf32, #tpu.memory_space<vmem>> -> memref<128x768xf32, #tpu.memory_space<vmem>>
    %dma_wait3A_23 = arith.constant 0 : i32
    %dma_wait3A_24 = tpu.memref_slice %arg2[%add3A_18, %dma_wait3A_23] : memref<8192x768xf32, #tpu.memory_space<hbm>> -> memref<128x768xf32, #tpu.memory_space<hbm>>
    %dma_wait3A_25 = arith.constant 0 : i32
    %dma_wait3A_26 = arith.constant 0 : i32
    %dma_wait3A_27 = tpu.memref_slice %arg4[%dma_wait3A, %dma_wait3A_25, %dma_wait3A_26] : memref<1x128x768xf32, #tpu.memory_space<vmem>> -> memref<1x128x768xf32, #tpu.memory_space<vmem>>
    %dma_wait3A_28 = tpu.memref_squeeze %dma_wait3A_27 : memref<1x128x768xf32, #tpu.memory_space<vmem>> -> memref<128x768xf32, #tpu.memory_space<vmem>>
    %dma_wait3A_29 = arith.constant 0 : i32
    %dma_wait3A_30 = tpu.memref_slice %arg2[%add3A_18, %dma_wait3A_29] : memref<8192x768xf32, #tpu.memory_space<hbm>> -> memref<128x768xf32, #tpu.memory_space<hbm>>
    tpu.wait_dma2 semaphore(%arg5 : memref<!tpu.dma_semaphore, #tpu.memory_space<semaphore_mem>>) src(%dma_wait3A_30 : memref<128x768xf32, #tpu.memory_space<hbm>>) dst(%dma_wait3A_28 : memref<128x768xf32, #tpu.memory_space<vmem>>)
    %add3A_31 = arith.constant 0 : i32
    %add3A_32 = arith.addi %mul3A_2, %add3A_31 : i32
    %dma_start3A_33 = arith.constant 0 : i32
    %dma_start3A_34 = arith.constant 0 : i32
    %dma_start3A_35 = arith.constant 0 : i32
    %dma_start3A_36 = arith.constant 0 : i32
    %dma_start3A_37 = tpu.memref_slice %arg4[%dma_start3A_33, %dma_start3A_35, %dma_start3A_36] : memref<1x128x768xf32, #tpu.memory_space<vmem>> -> memref<1x128x768xf32, #tpu.memory_space<vmem>>
    %dma_start3A_38 = tpu.memref_squeeze %dma_start3A_37 : memref<1x128x768xf32, #tpu.memory_space<vmem>> -> memref<128x768xf32, #tpu.memory_space<vmem>>
    %dma_start3A_39 = arith.constant 0 : i32
    %dma_start3A_40 = tpu.memref_slice %arg3[%dma_start3A_34, %add3A_32, %dma_start3A_39] : memref<4x8192x768xf32, #tpu.memory_space<hbm>> -> memref<1x128x768xf32, #tpu.memory_space<hbm>>
    %dma_start3A_41 = tpu.memref_squeeze %dma_start3A_40 : memref<1x128x768xf32, #tpu.memory_space<hbm>> -> memref<128x768xf32, #tpu.memory_space<hbm>>
    %dma_start3A_42 = arith.constant 0 : i32
    %dma_start3A_43 = tpu.memref_slice %arg3[%dma_start3A_34, %add3A_32, %dma_start3A_42] : memref<4x8192x768xf32, #tpu.memory_space<hbm>> -> memref<1x128x768xf32, #tpu.memory_space<hbm>>
    %dma_start3A_44 = tpu.memref_squeeze %dma_start3A_43 : memref<1x128x768xf32, #tpu.memory_space<hbm>> -> memref<128x768xf32, #tpu.memory_space<hbm>>
    %dma_start3A_45 = arith.constant 0 : i32
    %dma_start3A_46 = arith.constant 0 : i32
    %dma_start3A_47 = tpu.memref_slice %arg4[%dma_start3A_33, %dma_start3A_45, %dma_start3A_46] : memref<1x128x768xf32, #tpu.memory_space<vmem>> -> memref<1x128x768xf32, #tpu.memory_space<vmem>>
    %dma_start3A_48 = tpu.memref_squeeze %dma_start3A_47 : memref<1x128x768xf32, #tpu.memory_space<vmem>> -> memref<128x768xf32, #tpu.memory_space<vmem>>
    tpu.enqueue_dma source(%dma_start3A_48 : memref<128x768xf32, #tpu.memory_space<vmem>>) target(%dma_start3A_44 : memref<128x768xf32, #tpu.memory_space<hbm>>) target_semaphore(%arg6 : memref<!tpu.dma_semaphore, #tpu.memory_space<semaphore_mem>>)
    %add3A_49 = arith.constant 0 : i32
    %add3A_50 = arith.addi %mul3A_2, %add3A_49 : i32
    %dma_start3A_51 = arith.constant 0 : i32
    %dma_start3A_52 = arith.constant 1 : i32
    %dma_start3A_53 = arith.constant 0 : i32
    %dma_start3A_54 = arith.constant 0 : i32
    %dma_start3A_55 = tpu.memref_slice %arg4[%dma_start3A_51, %dma_start3A_53, %dma_start3A_54] : memref<1x128x768xf32, #tpu.memory_space<vmem>> -> memref<1x128x768xf32, #tpu.memory_space<vmem>>
    %dma_start3A_56 = tpu.memref_squeeze %dma_start3A_55 : memref<1x128x768xf32, #tpu.memory_space<vmem>> -> memref<128x768xf32, #tpu.memory_space<vmem>>
    %dma_start3A_57 = arith.constant 0 : i32
    %dma_start3A_58 = tpu.memref_slice %arg3[%dma_start3A_52, %add3A_50, %dma_start3A_57] : memref<4x8192x768xf32, #tpu.memory_space<hbm>> -> memref<1x128x768xf32, #tpu.memory_space<hbm>>
    %dma_start3A_59 = tpu.memref_squeeze %dma_start3A_58 : memref<1x128x768xf32, #tpu.memory_space<hbm>> -> memref<128x768xf32, #tpu.memory_space<hbm>>
    %dma_start3A_60 = arith.constant 0 : i32
    %dma_start3A_61 = tpu.memref_slice %arg3[%dma_start3A_52, %add3A_50, %dma_start3A_60] : memref<4x8192x768xf32, #tpu.memory_space<hbm>> -> memref<1x128x768xf32, #tpu.memory_space<hbm>>
    %dma_start3A_62 = tpu.memref_squeeze %dma_start3A_61 : memref<1x128x768xf32, #tpu.memory_space<hbm>> -> memref<128x768xf32, #tpu.memory_space<hbm>>
    %dma_start3A_63 = arith.constant 0 : i32
    %dma_start3A_64 = arith.constant 0 : i32
    %dma_start3A_65 = tpu.memref_slice %arg4[%dma_start3A_51, %dma_start3A_63, %dma_start3A_64] : memref<1x128x768xf32, #tpu.memory_space<vmem>> -> memref<1x128x768xf32, #tpu.memory_space<vmem>>
    %dma_start3A_66 = tpu.memref_squeeze %dma_start3A_65 : memref<1x128x768xf32, #tpu.memory_space<vmem>> -> memref<128x768xf32, #tpu.memory_space<vmem>>
    tpu.enqueue_dma source(%dma_start3A_66 : memref<128x768xf32, #tpu.memory_space<vmem>>) target(%dma_start3A_62 : memref<128x768xf32, #tpu.memory_space<hbm>>) target_semaphore(%arg6 : memref<!tpu.dma_semaphore, #tpu.memory_space<semaphore_mem>>)
    %add3A_67 = arith.constant 0 : i32
    %add3A_68 = arith.addi %mul3A_2, %add3A_67 : i32
    %dma_start3A_69 = arith.constant 0 : i32
    %dma_start3A_70 = arith.constant 2 : i32
    %dma_start3A_71 = arith.constant 0 : i32
    %dma_start3A_72 = arith.constant 0 : i32
    %dma_start3A_73 = tpu.memref_slice %arg4[%dma_start3A_69, %dma_start3A_71, %dma_start3A_72] : memref<1x128x768xf32, #tpu.memory_space<vmem>> -> memref<1x128x768xf32, #tpu.memory_space<vmem>>
    %dma_start3A_74 = tpu.memref_squeeze %dma_start3A_73 : memref<1x128x768xf32, #tpu.memory_space<vmem>> -> memref<128x768xf32, #tpu.memory_space<vmem>>
    %dma_start3A_75 = arith.constant 0 : i32
    %dma_start3A_76 = tpu.memref_slice %arg3[%dma_start3A_70, %add3A_68, %dma_start3A_75] : memref<4x8192x768xf32, #tpu.memory_space<hbm>> -> memref<1x128x768xf32, #tpu.memory_space<hbm>>
    %dma_start3A_77 = tpu.memref_squeeze %dma_start3A_76 : memref<1x128x768xf32, #tpu.memory_space<hbm>> -> memref<128x768xf32, #tpu.memory_space<hbm>>
    %dma_start3A_78 = arith.constant 0 : i32
    %dma_start3A_79 = tpu.memref_slice %arg3[%dma_start3A_70, %add3A_68, %dma_start3A_78] : memref<4x8192x768xf32, #tpu.memory_space<hbm>> -> memref<1x128x768xf32, #tpu.memory_space<hbm>>
    %dma_start3A_80 = tpu.memref_squeeze %dma_start3A_79 : memref<1x128x768xf32, #tpu.memory_space<hbm>> -> memref<128x768xf32, #tpu.memory_space<hbm>>
    %dma_start3A_81 = arith.constant 0 : i32
    %dma_start3A_82 = arith.constant 0 : i32
    %dma_start3A_83 = tpu.memref_slice %arg4[%dma_start3A_69, %dma_start3A_81, %dma_start3A_82] : memref<1x128x768xf32, #tpu.memory_space<vmem>> -> memref<1x128x768xf32, #tpu.memory_space<vmem>>
    %dma_start3A_84 = tpu.memref_squeeze %dma_start3A_83 : memref<1x128x768xf32, #tpu.memory_space<vmem>> -> memref<128x768xf32, #tpu.memory_space<vmem>>
    tpu.enqueue_dma source(%dma_start3A_84 : memref<128x768xf32, #tpu.memory_space<vmem>>) target(%dma_start3A_80 : memref<128x768xf32, #tpu.memory_space<hbm>>) target_semaphore(%arg6 : memref<!tpu.dma_semaphore, #tpu.memory_space<semaphore_mem>>)
    %add3A_85 = arith.constant 0 : i32
    %add3A_86 = arith.addi %mul3A_2, %add3A_85 : i32
    %dma_start3A_87 = arith.constant 0 : i32
    %dma_start3A_88 = arith.constant 3 : i32
    %dma_start3A_89 = arith.constant 0 : i32
    %dma_start3A_90 = arith.constant 0 : i32
    %dma_start3A_91 = tpu.memref_slice %arg4[%dma_start3A_87, %dma_start3A_89, %dma_start3A_90] : memref<1x128x768xf32, #tpu.memory_space<vmem>> -> memref<1x128x768xf32, #tpu.memory_space<vmem>>
    %dma_start3A_92 = tpu.memref_squeeze %dma_start3A_91 : memref<1x128x768xf32, #tpu.memory_space<vmem>> -> memref<128x768xf32, #tpu.memory_space<vmem>>
    %dma_start3A_93 = arith.constant 0 : i32
    %dma_start3A_94 = tpu.memref_slice %arg3[%dma_start3A_88, %add3A_86, %dma_start3A_93] : memref<4x8192x768xf32, #tpu.memory_space<hbm>> -> memref<1x128x768xf32, #tpu.memory_space<hbm>>
    %dma_start3A_95 = tpu.memref_squeeze %dma_start3A_94 : memref<1x128x768xf32, #tpu.memory_space<hbm>> -> memref<128x768xf32, #tpu.memory_space<hbm>>
    %dma_start3A_96 = arith.constant 0 : i32
    %dma_start3A_97 = tpu.memref_slice %arg3[%dma_start3A_88, %add3A_86, %dma_start3A_96] : memref<4x8192x768xf32, #tpu.memory_space<hbm>> -> memref<1x128x768xf32, #tpu.memory_space<hbm>>
    %dma_start3A_98 = tpu.memref_squeeze %dma_start3A_97 : memref<1x128x768xf32, #tpu.memory_space<hbm>> -> memref<128x768xf32, #tpu.memory_space<hbm>>
    %dma_start3A_99 = arith.constant 0 : i32
    %dma_start3A_100 = arith.constant 0 : i32
    %dma_start3A_101 = tpu.memref_slice %arg4[%dma_start3A_87, %dma_start3A_99, %dma_start3A_100] : memref<1x128x768xf32, #tpu.memory_space<vmem>> -> memref<1x128x768xf32, #tpu.memory_space<vmem>>
    %dma_start3A_102 = tpu.memref_squeeze %dma_start3A_101 : memref<1x128x768xf32, #tpu.memory_space<vmem>> -> memref<128x768xf32, #tpu.memory_space<vmem>>
    tpu.enqueue_dma source(%dma_start3A_102 : memref<128x768xf32, #tpu.memory_space<vmem>>) target(%dma_start3A_98 : memref<128x768xf32, #tpu.memory_space<hbm>>) target_semaphore(%arg6 : memref<!tpu.dma_semaphore, #tpu.memory_space<semaphore_mem>>)
    %add3A_103 = arith.constant 0 : i32
    %add3A_104 = arith.addi %mul3A_2, %add3A_103 : i32
    %dma_wait3A_105 = arith.constant 0 : i32
    %dma_wait3A_106 = arith.constant 0 : i32
    %dma_wait3A_107 = arith.constant 0 : i32
    %dma_wait3A_108 = arith.constant 0 : i32
    %dma_wait3A_109 = tpu.memref_slice %arg4[%dma_wait3A_105, %dma_wait3A_107, %dma_wait3A_108] : memref<1x128x768xf32, #tpu.memory_space<vmem>> -> memref<1x128x768xf32, #tpu.memory_space<vmem>>
    %dma_wait3A_110 = tpu.memref_squeeze %dma_wait3A_109 : memref<1x128x768xf32, #tpu.memory_space<vmem>> -> memref<128x768xf32, #tpu.memory_space<vmem>>
    %dma_wait3A_111 = arith.constant 0 : i32
    %dma_wait3A_112 = tpu.memref_slice %arg3[%dma_wait3A_106, %add3A_104, %dma_wait3A_111] : memref<4x8192x768xf32, #tpu.memory_space<hbm>> -> memref<1x128x768xf32, #tpu.memory_space<hbm>>
    %dma_wait3A_113 = tpu.memref_squeeze %dma_wait3A_112 : memref<1x128x768xf32, #tpu.memory_space<hbm>> -> memref<128x768xf32, #tpu.memory_space<hbm>>
    %dma_wait3A_114 = arith.constant 0 : i32
    %dma_wait3A_115 = tpu.memref_slice %arg3[%dma_wait3A_106, %add3A_104, %dma_wait3A_114] : memref<4x8192x768xf32, #tpu.memory_space<hbm>> -> memref<1x128x768xf32, #tpu.memory_space<hbm>>
    %dma_wait3A_116 = tpu.memref_squeeze %dma_wait3A_115 : memref<1x128x768xf32, #tpu.memory_space<hbm>> -> memref<128x768xf32, #tpu.memory_space<hbm>>
    %dma_wait3A_117 = arith.constant 0 : i32
    %dma_wait3A_118 = arith.constant 0 : i32
    %dma_wait3A_119 = tpu.memref_slice %arg4[%dma_wait3A_105, %dma_wait3A_117, %dma_wait3A_118] : memref<1x128x768xf32, #tpu.memory_space<vmem>> -> memref<1x128x768xf32, #tpu.memory_space<vmem>>
    %dma_wait3A_120 = tpu.memref_squeeze %dma_wait3A_119 : memref<1x128x768xf32, #tpu.memory_space<vmem>> -> memref<128x768xf32, #tpu.memory_space<vmem>>
    tpu.wait_dma2 semaphore(%arg6 : memref<!tpu.dma_semaphore, #tpu.memory_space<semaphore_mem>>) src(%dma_wait3A_120 : memref<128x768xf32, #tpu.memory_space<vmem>>) dst(%dma_wait3A_116 : memref<128x768xf32, #tpu.memory_space<hbm>>)
    %add3A_121 = arith.constant 0 : i32
    %add3A_122 = arith.addi %mul3A_2, %add3A_121 : i32
    %dma_wait3A_123 = arith.constant 0 : i32
    %dma_wait3A_124 = arith.constant 1 : i32
    %dma_wait3A_125 = arith.constant 0 : i32
    %dma_wait3A_126 = arith.constant 0 : i32
    %dma_wait3A_127 = tpu.memref_slice %arg4[%dma_wait3A_123, %dma_wait3A_125, %dma_wait3A_126] : memref<1x128x768xf32, #tpu.memory_space<vmem>> -> memref<1x128x768xf32, #tpu.memory_space<vmem>>
    %dma_wait3A_128 = tpu.memref_squeeze %dma_wait3A_127 : memref<1x128x768xf32, #tpu.memory_space<vmem>> -> memref<128x768xf32, #tpu.memory_space<vmem>>
    %dma_wait3A_129 = arith.constant 0 : i32
    %dma_wait3A_130 = tpu.memref_slice %arg3[%dma_wait3A_124, %add3A_122, %dma_wait3A_129] : memref<4x8192x768xf32, #tpu.memory_space<hbm>> -> memref<1x128x768xf32, #tpu.memory_space<hbm>>
    %dma_wait3A_131 = tpu.memref_squeeze %dma_wait3A_130 : memref<1x128x768xf32, #tpu.memory_space<hbm>> -> memref<128x768xf32, #tpu.memory_space<hbm>>
    %dma_wait3A_132 = arith.constant 0 : i32
    %dma_wait3A_133 = tpu.memref_slice %arg3[%dma_wait3A_124, %add3A_122, %dma_wait3A_132] : memref<4x8192x768xf32, #tpu.memory_space<hbm>> -> memref<1x128x768xf32, #tpu.memory_space<hbm>>
    %dma_wait3A_134 = tpu.memref_squeeze %dma_wait3A_133 : memref<1x128x768xf32, #tpu.memory_space<hbm>> -> memref<128x768xf32, #tpu.memory_space<hbm>>
    %dma_wait3A_135 = arith.constant 0 : i32
    %dma_wait3A_136 = arith.constant 0 : i32
    %dma_wait3A_137 = tpu.memref_slice %arg4[%dma_wait3A_123, %dma_wait3A_135, %dma_wait3A_136] : memref<1x128x768xf32, #tpu.memory_space<vmem>> -> memref<1x128x768xf32, #tpu.memory_space<vmem>>
    %dma_wait3A_138 = tpu.memref_squeeze %dma_wait3A_137 : memref<1x128x768xf32, #tpu.memory_space<vmem>> -> memref<128x768xf32, #tpu.memory_space<vmem>>
    tpu.wait_dma2 semaphore(%arg6 : memref<!tpu.dma_semaphore, #tpu.memory_space<semaphore_mem>>) src(%dma_wait3A_138 : memref<128x768xf32, #tpu.memory_space<vmem>>) dst(%dma_wait3A_134 : memref<128x768xf32, #tpu.memory_space<hbm>>)
    %add3A_139 = arith.constant 0 : i32
    %add3A_140 = arith.addi %mul3A_2, %add3A_139 : i32
    %dma_wait3A_141 = arith.constant 0 : i32
    %dma_wait3A_142 = arith.constant 2 : i32
    %dma_wait3A_143 = arith.constant 0 : i32
    %dma_wait3A_144 = arith.constant 0 : i32
    %dma_wait3A_145 = tpu.memref_slice %arg4[%dma_wait3A_141, %dma_wait3A_143, %dma_wait3A_144] : memref<1x128x768xf32, #tpu.memory_space<vmem>> -> memref<1x128x768xf32, #tpu.memory_space<vmem>>
    %dma_wait3A_146 = tpu.memref_squeeze %dma_wait3A_145 : memref<1x128x768xf32, #tpu.memory_space<vmem>> -> memref<128x768xf32, #tpu.memory_space<vmem>>
    %dma_wait3A_147 = arith.constant 0 : i32
    %dma_wait3A_148 = tpu.memref_slice %arg3[%dma_wait3A_142, %add3A_140, %dma_wait3A_147] : memref<4x8192x768xf32, #tpu.memory_space<hbm>> -> memref<1x128x768xf32, #tpu.memory_space<hbm>>
    %dma_wait3A_149 = tpu.memref_squeeze %dma_wait3A_148 : memref<1x128x768xf32, #tpu.memory_space<hbm>> -> memref<128x768xf32, #tpu.memory_space<hbm>>
    %dma_wait3A_150 = arith.constant 0 : i32
    %dma_wait3A_151 = tpu.memref_slice %arg3[%dma_wait3A_142, %add3A_140, %dma_wait3A_150] : memref<4x8192x768xf32, #tpu.memory_space<hbm>> -> memref<1x128x768xf32, #tpu.memory_space<hbm>>
    %dma_wait3A_152 = tpu.memref_squeeze %dma_wait3A_151 : memref<1x128x768xf32, #tpu.memory_space<hbm>> -> memref<128x768xf32, #tpu.memory_space<hbm>>
    %dma_wait3A_153 = arith.constant 0 : i32
    %dma_wait3A_154 = arith.constant 0 : i32
    %dma_wait3A_155 = tpu.memref_slice %arg4[%dma_wait3A_141, %dma_wait3A_153, %dma_wait3A_154] : memref<1x128x768xf32, #tpu.memory_space<vmem>> -> memref<1x128x768xf32, #tpu.memory_space<vmem>>
    %dma_wait3A_156 = tpu.memref_squeeze %dma_wait3A_155 : memref<1x128x768xf32, #tpu.memory_space<vmem>> -> memref<128x768xf32, #tpu.memory_space<vmem>>
    tpu.wait_dma2 semaphore(%arg6 : memref<!tpu.dma_semaphore, #tpu.memory_space<semaphore_mem>>) src(%dma_wait3A_156 : memref<128x768xf32, #tpu.memory_space<vmem>>) dst(%dma_wait3A_152 : memref<128x768xf32, #tpu.memory_space<hbm>>)
    %add3A_157 = arith.constant 0 : i32
    %add3A_158 = arith.addi %mul3A_2, %add3A_157 : i32
    %dma_wait3A_159 = arith.constant 0 : i32
    %dma_wait3A_160 = arith.constant 3 : i32
    %dma_wait3A_161 = arith.constant 0 : i32
    %dma_wait3A_162 = arith.constant 0 : i32
    %dma_wait3A_163 = tpu.memref_slice %arg4[%dma_wait3A_159, %dma_wait3A_161, %dma_wait3A_162] : memref<1x128x768xf32, #tpu.memory_space<vmem>> -> memref<1x128x768xf32, #tpu.memory_space<vmem>>
    %dma_wait3A_164 = tpu.memref_squeeze %dma_wait3A_163 : memref<1x128x768xf32, #tpu.memory_space<vmem>> -> memref<128x768xf32, #tpu.memory_space<vmem>>
    %dma_wait3A_165 = arith.constant 0 : i32
    %dma_wait3A_166 = tpu.memref_slice %arg3[%dma_wait3A_160, %add3A_158, %dma_wait3A_165] : memref<4x8192x768xf32, #tpu.memory_space<hbm>> -> memref<1x128x768xf32, #tpu.memory_space<hbm>>
    %dma_wait3A_167 = tpu.memref_squeeze %dma_wait3A_166 : memref<1x128x768xf32, #tpu.memory_space<hbm>> -> memref<128x768xf32, #tpu.memory_space<hbm>>
    %dma_wait3A_168 = arith.constant 0 : i32
    %dma_wait3A_169 = tpu.memref_slice %arg3[%dma_wait3A_160, %add3A_158, %dma_wait3A_168] : memref<4x8192x768xf32, #tpu.memory_space<hbm>> -> memref<1x128x768xf32, #tpu.memory_space<hbm>>
    %dma_wait3A_170 = tpu.memref_squeeze %dma_wait3A_169 : memref<1x128x768xf32, #tpu.memory_space<hbm>> -> memref<128x768xf32, #tpu.memory_space<hbm>>
    %dma_wait3A_171 = arith.constant 0 : i32
    %dma_wait3A_172 = arith.constant 0 : i32
    %dma_wait3A_173 = tpu.memref_slice %arg4[%dma_wait3A_159, %dma_wait3A_171, %dma_wait3A_172] : memref<1x128x768xf32, #tpu.memory_space<vmem>> -> memref<1x128x768xf32, #tpu.memory_space<vmem>>
    %dma_wait3A_174 = tpu.memref_squeeze %dma_wait3A_173 : memref<1x128x768xf32, #tpu.memory_space<vmem>> -> memref<128x768xf32, #tpu.memory_space<vmem>>
    tpu.wait_dma2 semaphore(%arg6 : memref<!tpu.dma_semaphore, #tpu.memory_space<semaphore_mem>>) src(%dma_wait3A_174 : memref<128x768xf32, #tpu.memory_space<vmem>>) dst(%dma_wait3A_170 : memref<128x768xf32, #tpu.memory_space<hbm>>)
    %add3A_175 = arith.constant 128 : i32
    %add3A_176 = arith.addi %mul3A_2, %add3A_175 : i32
    %dma_start3A_177 = arith.constant 0 : i32
    %dma_start3A_178 = arith.constant 0 : i32
    %dma_start3A_179 = arith.constant 0 : i32
    %dma_start3A_180 = tpu.memref_slice %arg4[%dma_start3A_177, %dma_start3A_178, %dma_start3A_179] : memref<1x128x768xf32, #tpu.memory_space<vmem>> -> memref<1x128x768xf32, #tpu.memory_space<vmem>>
    %dma_start3A_181 = tpu.memref_squeeze %dma_start3A_180 : memref<1x128x768xf32, #tpu.memory_space<vmem>> -> memref<128x768xf32, #tpu.memory_space<vmem>>
    %dma_start3A_182 = arith.constant 0 : i32
    %dma_start3A_183 = tpu.memref_slice %arg2[%add3A_176, %dma_start3A_182] : memref<8192x768xf32, #tpu.memory_space<hbm>> -> memref<128x768xf32, #tpu.memory_space<hbm>>
    %dma_start3A_184 = arith.constant 0 : i32
    %dma_start3A_185 = arith.constant 0 : i32
    %dma_start3A_186 = tpu.memref_slice %arg4[%dma_start3A_177, %dma_start3A_184, %dma_start3A_185] : memref<1x128x768xf32, #tpu.memory_space<vmem>> -> memref<1x128x768xf32, #tpu.memory_space<vmem>>
    %dma_start3A_187 = tpu.memref_squeeze %dma_start3A_186 : memref<1x128x768xf32, #tpu.memory_space<vmem>> -> memref<128x768xf32, #tpu.memory_space<vmem>>
    %dma_start3A_188 = arith.constant 0 : i32
    %dma_start3A_189 = tpu.memref_slice %arg2[%add3A_176, %dma_start3A_188] : memref<8192x768xf32, #tpu.memory_space<hbm>> -> memref<128x768xf32, #tpu.memory_space<hbm>>
    tpu.enqueue_dma source(%dma_start3A_189 : memref<128x768xf32, #tpu.memory_space<hbm>>) target(%dma_start3A_187 : memref<128x768xf32, #tpu.memory_space<vmem>>) target_semaphore(%arg5 : memref<!tpu.dma_semaphore, #tpu.memory_space<semaphore_mem>>)
    %add3A_190 = arith.constant 128 : i32
    %add3A_191 = arith.addi %mul3A_2, %add3A_190 : i32
    %dma_wait3A_192 = arith.constant 0 : i32
    %dma_wait3A_193 = arith.constant 0 : i32
    %dma_wait3A_194 = arith.constant 0 : i32
    %dma_wait3A_195 = tpu.memref_slice %arg4[%dma_wait3A_192, %dma_wait3A_193, %dma_wait3A_194] : memref<1x128x768xf32, #tpu.memory_space<vmem>> -> memref<1x128x768xf32, #tpu.memory_space<vmem>>
    %dma_wait3A_196 = tpu.memref_squeeze %dma_wait3A_195 : memref<1x128x768xf32, #tpu.memory_space<vmem>> -> memref<128x768xf32, #tpu.memory_space<vmem>>
    %dma_wait3A_197 = arith.constant 0 : i32
    %dma_wait3A_198 = tpu.memref_slice %arg2[%add3A_191, %dma_wait3A_197] : memref<8192x768xf32, #tpu.memory_space<hbm>> -> memref<128x768xf32, #tpu.memory_space<hbm>>
    %dma_wait3A_199 = arith.constant 0 : i32
    %dma_wait3A_200 = arith.constant 0 : i32
    %dma_wait3A_201 = tpu.memref_slice %arg4[%dma_wait3A_192, %dma_wait3A_199, %dma_wait3A_200] : memref<1x128x768xf32, #tpu.memory_space<vmem>> -> memref<1x128x768xf32, #tpu.memory_space<vmem>>
    %dma_wait3A_202 = tpu.memref_squeeze %dma_wait3A_201 : memref<1x128x768xf32, #tpu.memory_space<vmem>> -> memref<128x768xf32, #tpu.memory_space<vmem>>
    %dma_wait3A_203 = arith.constant 0 : i32
    %dma_wait3A_204 = tpu.memref_slice %arg2[%add3A_191, %dma_wait3A_203] : memref<8192x768xf32, #tpu.memory_space<hbm>> -> memref<128x768xf32, #tpu.memory_space<hbm>>
    tpu.wait_dma2 semaphore(%arg5 : memref<!tpu.dma_semaphore, #tpu.memory_space<semaphore_mem>>) src(%dma_wait3A_204 : memref<128x768xf32, #tpu.memory_space<hbm>>) dst(%dma_wait3A_202 : memref<128x768xf32, #tpu.memory_space<vmem>>)
    %add3A_205 = arith.constant 128 : i32
    %add3A_206 = arith.addi %mul3A_2, %add3A_205 : i32
    %dma_start3A_207 = arith.constant 0 : i32
    %dma_start3A_208 = arith.constant 0 : i32
    %dma_start3A_209 = arith.constant 0 : i32
    %dma_start3A_210 = arith.constant 0 : i32
    %dma_start3A_211 = tpu.memref_slice %arg4[%dma_start3A_207, %dma_start3A_209, %dma_start3A_210] : memref<1x128x768xf32, #tpu.memory_space<vmem>> -> memref<1x128x768xf32, #tpu.memory_space<vmem>>
    %dma_start3A_212 = tpu.memref_squeeze %dma_start3A_211 : memref<1x128x768xf32, #tpu.memory_space<vmem>> -> memref<128x768xf32, #tpu.memory_space<vmem>>
    %dma_start3A_213 = arith.constant 0 : i32
    %dma_start3A_214 = tpu.memref_slice %arg3[%dma_start3A_208, %add3A_206, %dma_start3A_213] : memref<4x8192x768xf32, #tpu.memory_space<hbm>> -> memref<1x128x768xf32, #tpu.memory_space<hbm>>
    %dma_start3A_215 = tpu.memref_squeeze %dma_start3A_214 : memref<1x128x768xf32, #tpu.memory_space<hbm>> -> memref<128x768xf32, #tpu.memory_space<hbm>>
    %dma_start3A_216 = arith.constant 0 : i32
    %dma_start3A_217 = tpu.memref_slice %arg3[%dma_start3A_208, %add3A_206, %dma_start3A_216] : memref<4x8192x768xf32, #tpu.memory_space<hbm>> -> memref<1x128x768xf32, #tpu.memory_space<hbm>>
    %dma_start3A_218 = tpu.memref_squeeze %dma_start3A_217 : memref<1x128x768xf32, #tpu.memory_space<hbm>> -> memref<128x768xf32, #tpu.memory_space<hbm>>
    %dma_start3A_219 = arith.constant 0 : i32
    %dma_start3A_220 = arith.constant 0 : i32
    %dma_start3A_221 = tpu.memref_slice %arg4[%dma_start3A_207, %dma_start3A_219, %dma_start3A_220] : memref<1x128x768xf32, #tpu.memory_space<vmem>> -> memref<1x128x768xf32, #tpu.memory_space<vmem>>
    %dma_start3A_222 = tpu.memref_squeeze %dma_start3A_221 : memref<1x128x768xf32, #tpu.memory_space<vmem>> -> memref<128x768xf32, #tpu.memory_space<vmem>>
    tpu.enqueue_dma source(%dma_start3A_222 : memref<128x768xf32, #tpu.memory_space<vmem>>) target(%dma_start3A_218 : memref<128x768xf32, #tpu.memory_space<hbm>>) target_semaphore(%arg6 : memref<!tpu.dma_semaphore, #tpu.memory_space<semaphore_mem>>)
    %add3A_223 = arith.constant 128 : i32
    %add3A_224 = arith.addi %mul3A_2, %add3A_223 : i32
    %dma_start3A_225 = arith.constant 0 : i32
    %dma_start3A_226 = arith.constant 1 : i32
    %dma_start3A_227 = arith.constant 0 : i32
    %dma_start3A_228 = arith.constant 0 : i32
    %dma_start3A_229 = tpu.memref_slice %arg4[%dma_start3A_225, %dma_start3A_227, %dma_start3A_228] : memref<1x128x768xf32, #tpu.memory_space<vmem>> -> memref<1x128x768xf32, #tpu.memory_space<vmem>>
    %dma_start3A_230 = tpu.memref_squeeze %dma_start3A_229 : memref<1x128x768xf32, #tpu.memory_space<vmem>> -> memref<128x768xf32, #tpu.memory_space<vmem>>
    %dma_start3A_231 = arith.constant 0 : i32
    %dma_start3A_232 = tpu.memref_slice %arg3[%dma_start3A_226, %add3A_224, %dma_start3A_231] : memref<4x8192x768xf32, #tpu.memory_space<hbm>> -> memref<1x128x768xf32, #tpu.memory_space<hbm>>
    %dma_start3A_233 = tpu.memref_squeeze %dma_start3A_232 : memref<1x128x768xf32, #tpu.memory_space<hbm>> -> memref<128x768xf32, #tpu.memory_space<hbm>>
    %dma_start3A_234 = arith.constant 0 : i32
    %dma_start3A_235 = tpu.memref_slice %arg3[%dma_start3A_226, %add3A_224, %dma_start3A_234] : memref<4x8192x768xf32, #tpu.memory_space<hbm>> -> memref<1x128x768xf32, #tpu.memory_space<hbm>>
    %dma_start3A_236 = tpu.memref_squeeze %dma_start3A_235 : memref<1x128x768xf32, #tpu.memory_space<hbm>> -> memref<128x768xf32, #tpu.memory_space<hbm>>
    %dma_start3A_237 = arith.constant 0 : i32
    %dma_start3A_238 = arith.constant 0 : i32
    %dma_start3A_239 = tpu.memref_slice %arg4[%dma_start3A_225, %dma_start3A_237, %dma_start3A_238] : memref<1x128x768xf32, #tpu.memory_space<vmem>> -> memref<1x128x768xf32, #tpu.memory_space<vmem>>
    %dma_start3A_240 = tpu.memref_squeeze %dma_start3A_239 : memref<1x128x768xf32, #tpu.memory_space<vmem>> -> memref<128x768xf32, #tpu.memory_space<vmem>>
    tpu.enqueue_dma source(%dma_start3A_240 : memref<128x768xf32, #tpu.memory_space<vmem>>) target(%dma_start3A_236 : memref<128x768xf32, #tpu.memory_space<hbm>>) target_semaphore(%arg6 : memref<!tpu.dma_semaphore, #tpu.memory_space<semaphore_mem>>)
    %add3A_241 = arith.constant 128 : i32
    %add3A_242 = arith.addi %mul3A_2, %add3A_241 : i32
    %dma_start3A_243 = arith.constant 0 : i32
    %dma_start3A_244 = arith.constant 2 : i32
    %dma_start3A_245 = arith.constant 0 : i32
    %dma_start3A_246 = arith.constant 0 : i32
    %dma_start3A_247 = tpu.memref_slice %arg4[%dma_start3A_243, %dma_start3A_245, %dma_start3A_246] : memref<1x128x768xf32, #tpu.memory_space<vmem>> -> memref<1x128x768xf32, #tpu.memory_space<vmem>>
    %dma_start3A_248 = tpu.memref_squeeze %dma_start3A_247 : memref<1x128x768xf32, #tpu.memory_space<vmem>> -> memref<128x768xf32, #tpu.memory_space<vmem>>
    %dma_start3A_249 = arith.constant 0 : i32
    %dma_start3A_250 = tpu.memref_slice %arg3[%dma_start3A_244, %add3A_242, %dma_start3A_249] : memref<4x8192x768xf32, #tpu.memory_space<hbm>> -> memref<1x128x768xf32, #tpu.memory_space<hbm>>
    %dma_start3A_251 = tpu.memref_squeeze %dma_start3A_250 : memref<1x128x768xf32, #tpu.memory_space<hbm>> -> memref<128x768xf32, #tpu.memory_space<hbm>>
    %dma_start3A_252 = arith.constant 0 : i32
    %dma_start3A_253 = tpu.memref_slice %arg3[%dma_start3A_244, %add3A_242, %dma_start3A_252] : memref<4x8192x768xf32, #tpu.memory_space<hbm>> -> memref<1x128x768xf32, #tpu.memory_space<hbm>>
    %dma_start3A_254 = tpu.memref_squeeze %dma_start3A_253 : memref<1x128x768xf32, #tpu.memory_space<hbm>> -> memref<128x768xf32, #tpu.memory_space<hbm>>
    %dma_start3A_255 = arith.constant 0 : i32
    %dma_start3A_256 = arith.constant 0 : i32
    %dma_start3A_257 = tpu.memref_slice %arg4[%dma_start3A_243, %dma_start3A_255, %dma_start3A_256] : memref<1x128x768xf32, #tpu.memory_space<vmem>> -> memref<1x128x768xf32, #tpu.memory_space<vmem>>
    %dma_start3A_258 = tpu.memref_squeeze %dma_start3A_257 : memref<1x128x768xf32, #tpu.memory_space<vmem>> -> memref<128x768xf32, #tpu.memory_space<vmem>>
    tpu.enqueue_dma source(%dma_start3A_258 : memref<128x768xf32, #tpu.memory_space<vmem>>) target(%dma_start3A_254 : memref<128x768xf32, #tpu.memory_space<hbm>>) target_semaphore(%arg6 : memref<!tpu.dma_semaphore, #tpu.memory_space<semaphore_mem>>)
    %add3A_259 = arith.constant 128 : i32
    %add3A_260 = arith.addi %mul3A_2, %add3A_259 : i32
    %dma_start3A_261 = arith.constant 0 : i32
    %dma_start3A_262 = arith.constant 3 : i32
    %dma_start3A_263 = arith.constant 0 : i32
    %dma_start3A_264 = arith.constant 0 : i32
    %dma_start3A_265 = tpu.memref_slice %arg4[%dma_start3A_261, %dma_start3A_263, %dma_start3A_264] : memref<1x128x768xf32, #tpu.memory_space<vmem>> -> memref<1x128x768xf32, #tpu.memory_space<vmem>>
    %dma_start3A_266 = tpu.memref_squeeze %dma_start3A_265 : memref<1x128x768xf32, #tpu.memory_space<vmem>> -> memref<128x768xf32, #tpu.memory_space<vmem>>
    %dma_start3A_267 = arith.constant 0 : i32
    %dma_start3A_268 = tpu.memref_slice %arg3[%dma_start3A_262, %add3A_260, %dma_start3A_267] : memref<4x8192x768xf32, #tpu.memory_space<hbm>> -> memref<1x128x768xf32, #tpu.memory_space<hbm>>
    %dma_start3A_269 = tpu.memref_squeeze %dma_start3A_268 : memref<1x128x768xf32, #tpu.memory_space<hbm>> -> memref<128x768xf32, #tpu.memory_space<hbm>>
    %dma_start3A_270 = arith.constant 0 : i32
    %dma_start3A_271 = tpu.memref_slice %arg3[%dma_start3A_262, %add3A_260, %dma_start3A_270] : memref<4x8192x768xf32, #tpu.memory_space<hbm>> -> memref<1x128x768xf32, #tpu.memory_space<hbm>>
    %dma_start3A_272 = tpu.memref_squeeze %dma_start3A_271 : memref<1x128x768xf32, #tpu.memory_space<hbm>> -> memref<128x768xf32, #tpu.memory_space<hbm>>
    %dma_start3A_273 = arith.constant 0 : i32
    %dma_start3A_274 = arith.constant 0 : i32
    %dma_start3A_275 = tpu.memref_slice %arg4[%dma_start3A_261, %dma_start3A_273, %dma_start3A_274] : memref<1x128x768xf32, #tpu.memory_space<vmem>> -> memref<1x128x768xf32, #tpu.memory_space<vmem>>
    %dma_start3A_276 = tpu.memref_squeeze %dma_start3A_275 : memref<1x128x768xf32, #tpu.memory_space<vmem>> -> memref<128x768xf32, #tpu.memory_space<vmem>>
    tpu.enqueue_dma source(%dma_start3A_276 : memref<128x768xf32, #tpu.memory_space<vmem>>) target(%dma_start3A_272 : memref<128x768xf32, #tpu.memory_space<hbm>>) target_semaphore(%arg6 : memref<!tpu.dma_semaphore, #tpu.memory_space<semaphore_mem>>)
    %add3A_277 = arith.constant 128 : i32
    %add3A_278 = arith.addi %mul3A_2, %add3A_277 : i32
    %dma_wait3A_279 = arith.constant 0 : i32
    %dma_wait3A_280 = arith.constant 0 : i32
    %dma_wait3A_281 = arith.constant 0 : i32
    %dma_wait3A_282 = arith.constant 0 : i32
    %dma_wait3A_283 = tpu.memref_slice %arg4[%dma_wait3A_279, %dma_wait3A_281, %dma_wait3A_282] : memref<1x128x768xf32, #tpu.memory_space<vmem>> -> memref<1x128x768xf32, #tpu.memory_space<vmem>>
    %dma_wait3A_284 = tpu.memref_squeeze %dma_wait3A_283 : memref<1x128x768xf32, #tpu.memory_space<vmem>> -> memref<128x768xf32, #tpu.memory_space<vmem>>
    %dma_wait3A_285 = arith.constant 0 : i32
    %dma_wait3A_286 = tpu.memref_slice %arg3[%dma_wait3A_280, %add3A_278, %dma_wait3A_285] : memref<4x8192x768xf32, #tpu.memory_space<hbm>> -> memref<1x128x768xf32, #tpu.memory_space<hbm>>
    %dma_wait3A_287 = tpu.memref_squeeze %dma_wait3A_286 : memref<1x128x768xf32, #tpu.memory_space<hbm>> -> memref<128x768xf32, #tpu.memory_space<hbm>>
    %dma_wait3A_288 = arith.constant 0 : i32
    %dma_wait3A_289 = tpu.memref_slice %arg3[%dma_wait3A_280, %add3A_278, %dma_wait3A_288] : memref<4x8192x768xf32, #tpu.memory_space<hbm>> -> memref<1x128x768xf32, #tpu.memory_space<hbm>>
    %dma_wait3A_290 = tpu.memref_squeeze %dma_wait3A_289 : memref<1x128x768xf32, #tpu.memory_space<hbm>> -> memref<128x768xf32, #tpu.memory_space<hbm>>
    %dma_wait3A_291 = arith.constant 0 : i32
    %dma_wait3A_292 = arith.constant 0 : i32
    %dma_wait3A_293 = tpu.memref_slice %arg4[%dma_wait3A_279, %dma_wait3A_291, %dma_wait3A_292] : memref<1x128x768xf32, #tpu.memory_space<vmem>> -> memref<1x128x768xf32, #tpu.memory_space<vmem>>
    %dma_wait3A_294 = tpu.memref_squeeze %dma_wait3A_293 : memref<1x128x768xf32, #tpu.memory_space<vmem>> -> memref<128x768xf32, #tpu.memory_space<vmem>>
    tpu.wait_dma2 semaphore(%arg6 : memref<!tpu.dma_semaphore, #tpu.memory_space<semaphore_mem>>) src(%dma_wait3A_294 : memref<128x768xf32, #tpu.memory_space<vmem>>) dst(%dma_wait3A_290 : memref<128x768xf32, #tpu.memory_space<hbm>>)
    %add3A_295 = arith.constant 128 : i32
    %add3A_296 = arith.addi %mul3A_2, %add3A_295 : i32
    %dma_wait3A_297 = arith.constant 0 : i32
    %dma_wait3A_298 = arith.constant 1 : i32
    %dma_wait3A_299 = arith.constant 0 : i32
    %dma_wait3A_300 = arith.constant 0 : i32
    %dma_wait3A_301 = tpu.memref_slice %arg4[%dma_wait3A_297, %dma_wait3A_299, %dma_wait3A_300] : memref<1x128x768xf32, #tpu.memory_space<vmem>> -> memref<1x128x768xf32, #tpu.memory_space<vmem>>
    %dma_wait3A_302 = tpu.memref_squeeze %dma_wait3A_301 : memref<1x128x768xf32, #tpu.memory_space<vmem>> -> memref<128x768xf32, #tpu.memory_space<vmem>>
    %dma_wait3A_303 = arith.constant 0 : i32
    %dma_wait3A_304 = tpu.memref_slice %arg3[%dma_wait3A_298, %add3A_296, %dma_wait3A_303] : memref<4x8192x768xf32, #tpu.memory_space<hbm>> -> memref<1x128x768xf32, #tpu.memory_space<hbm>>
    %dma_wait3A_305 = tpu.memref_squeeze %dma_wait3A_304 : memref<1x128x768xf32, #tpu.memory_space<hbm>> -> memref<128x768xf32, #tpu.memory_space<hbm>>
    %dma_wait3A_306 = arith.constant 0 : i32
    %dma_wait3A_307 = tpu.memref_slice %arg3[%dma_wait3A_298, %add3A_296, %dma_wait3A_306] : memref<4x8192x768xf32, #tpu.memory_space<hbm>> -> memref<1x128x768xf32, #tpu.memory_space<hbm>>
    %dma_wait3A_308 = tpu.memref_squeeze %dma_wait3A_307 : memref<1x128x768xf32, #tpu.memory_space<hbm>> -> memref<128x768xf32, #tpu.memory_space<hbm>>
    %dma_wait3A_309 = arith.constant 0 : i32
    %dma_wait3A_310 = arith.constant 0 : i32
    %dma_wait3A_311 = tpu.memref_slice %arg4[%dma_wait3A_297, %dma_wait3A_309, %dma_wait3A_310] : memref<1x128x768xf32, #tpu.memory_space<vmem>> -> memref<1x128x768xf32, #tpu.memory_space<vmem>>
    %dma_wait3A_312 = tpu.memref_squeeze %dma_wait3A_311 : memref<1x128x768xf32, #tpu.memory_space<vmem>> -> memref<128x768xf32, #tpu.memory_space<vmem>>
    tpu.wait_dma2 semaphore(%arg6 : memref<!tpu.dma_semaphore, #tpu.memory_space<semaphore_mem>>) src(%dma_wait3A_312 : memref<128x768xf32, #tpu.memory_space<vmem>>) dst(%dma_wait3A_308 : memref<128x768xf32, #tpu.memory_space<hbm>>)
    %add3A_313 = arith.constant 128 : i32
    %add3A_314 = arith.addi %mul3A_2, %add3A_313 : i32
    %dma_wait3A_315 = arith.constant 0 : i32
    %dma_wait3A_316 = arith.constant 2 : i32
    %dma_wait3A_317 = arith.constant 0 : i32
    %dma_wait3A_318 = arith.constant 0 : i32
    %dma_wait3A_319 = tpu.memref_slice %arg4[%dma_wait3A_315, %dma_wait3A_317, %dma_wait3A_318] : memref<1x128x768xf32, #tpu.memory_space<vmem>> -> memref<1x128x768xf32, #tpu.memory_space<vmem>>
    %dma_wait3A_320 = tpu.memref_squeeze %dma_wait3A_319 : memref<1x128x768xf32, #tpu.memory_space<vmem>> -> memref<128x768xf32, #tpu.memory_space<vmem>>
    %dma_wait3A_321 = arith.constant 0 : i32
    %dma_wait3A_322 = tpu.memref_slice %arg3[%dma_wait3A_316, %add3A_314, %dma_wait3A_321] : memref<4x8192x768xf32, #tpu.memory_space<hbm>> -> memref<1x128x768xf32, #tpu.memory_space<hbm>>
    %dma_wait3A_323 = tpu.memref_squeeze %dma_wait3A_322 : memref<1x128x768xf32, #tpu.memory_space<hbm>> -> memref<128x768xf32, #tpu.memory_space<hbm>>
    %dma_wait3A_324 = arith.constant 0 : i32
    %dma_wait3A_325 = tpu.memref_slice %arg3[%dma_wait3A_316, %add3A_314, %dma_wait3A_324] : memref<4x8192x768xf32, #tpu.memory_space<hbm>> -> memref<1x128x768xf32, #tpu.memory_space<hbm>>
    %dma_wait3A_326 = tpu.memref_squeeze %dma_wait3A_325 : memref<1x128x768xf32, #tpu.memory_space<hbm>> -> memref<128x768xf32, #tpu.memory_space<hbm>>
    %dma_wait3A_327 = arith.constant 0 : i32
    %dma_wait3A_328 = arith.constant 0 : i32
    %dma_wait3A_329 = tpu.memref_slice %arg4[%dma_wait3A_315, %dma_wait3A_327, %dma_wait3A_328] : memref<1x128x768xf32, #tpu.memory_space<vmem>> -> memref<1x128x768xf32, #tpu.memory_space<vmem>>
    %dma_wait3A_330 = tpu.memref_squeeze %dma_wait3A_329 : memref<1x128x768xf32, #tpu.memory_space<vmem>> -> memref<128x768xf32, #tpu.memory_space<vmem>>
    tpu.wait_dma2 semaphore(%arg6 : memref<!tpu.dma_semaphore, #tpu.memory_space<semaphore_mem>>) src(%dma_wait3A_330 : memref<128x768xf32, #tpu.memory_space<vmem>>) dst(%dma_wait3A_326 : memref<128x768xf32, #tpu.memory_space<hbm>>)
    %add3A_331 = arith.constant 128 : i32
    %add3A_332 = arith.addi %mul3A_2, %add3A_331 : i32
    %dma_wait3A_333 = arith.constant 0 : i32
    %dma_wait3A_334 = arith.constant 3 : i32
    %dma_wait3A_335 = arith.constant 0 : i32
    %dma_wait3A_336 = arith.constant 0 : i32
    %dma_wait3A_337 = tpu.memref_slice %arg4[%dma_wait3A_333, %dma_wait3A_335, %dma_wait3A_336] : memref<1x128x768xf32, #tpu.memory_space<vmem>> -> memref<1x128x768xf32, #tpu.memory_space<vmem>>
    %dma_wait3A_338 = tpu.memref_squeeze %dma_wait3A_337 : memref<1x128x768xf32, #tpu.memory_space<vmem>> -> memref<128x768xf32, #tpu.memory_space<vmem>>
    %dma_wait3A_339 = arith.constant 0 : i32
    %dma_wait3A_340 = tpu.memref_slice %arg3[%dma_wait3A_334, %add3A_332, %dma_wait3A_339] : memref<4x8192x768xf32, #tpu.memory_space<hbm>> -> memref<1x128x768xf32, #tpu.memory_space<hbm>>
    %dma_wait3A_341 = tpu.memref_squeeze %dma_wait3A_340 : memref<1x128x768xf32, #tpu.memory_space<hbm>> -> memref<128x768xf32, #tpu.memory_space<hbm>>
    %dma_wait3A_342 = arith.constant 0 : i32
    %dma_wait3A_343 = tpu.memref_slice %arg3[%dma_wait3A_334, %add3A_332, %dma_wait3A_342] : memref<4x8192x768xf32, #tpu.memory_space<hbm>> -> memref<1x128x768xf32, #tpu.memory_space<hbm>>
    %dma_wait3A_344 = tpu.memref_squeeze %dma_wait3A_343 : memref<1x128x768xf32, #tpu.memory_space<hbm>> -> memref<128x768xf32, #tpu.memory_space<hbm>>
    %dma_wait3A_345 = arith.constant 0 : i32
    %dma_wait3A_346 = arith.constant 0 : i32
    %dma_wait3A_347 = tpu.memref_slice %arg4[%dma_wait3A_333, %dma_wait3A_345, %dma_wait3A_346] : memref<1x128x768xf32, #tpu.memory_space<vmem>> -> memref<1x128x768xf32, #tpu.memory_space<vmem>>
    %dma_wait3A_348 = tpu.memref_squeeze %dma_wait3A_347 : memref<1x128x768xf32, #tpu.memory_space<vmem>> -> memref<128x768xf32, #tpu.memory_space<vmem>>
    tpu.wait_dma2 semaphore(%arg6 : memref<!tpu.dma_semaphore, #tpu.memory_space<semaphore_mem>>) src(%dma_wait3A_348 : memref<128x768xf32, #tpu.memory_space<vmem>>) dst(%dma_wait3A_344 : memref<128x768xf32, #tpu.memory_space<hbm>>)
    return
  }
}

</mosaic_0001>

<sc_bundles>
// kernel: kernel.3.cloned.1.call-start
scs
__scs_entry_jumppad:
0x0: {  	(pc) =	sbr.rel $0x88, $3  }
0x1: {  	(tag) =	ssettag $0x0;
	lr =	simm.s32 $0x1  }
0x2: {  	[smem:$0x3FA0] =	sst lr;
	_ =	strace $0xD0000000  }
0x3: {  	_ = 	snop  }
0x4: {  	_ = 	snop  }
0x5: {  	_ = 	snop  }
0x6: {  	_ = 	snop  }
0x7: {  	_ = 	snop  }
__scs_overlays_trampoline_lowered:
0x8: {  	[smem:$0x3FAF] =	sst s0  }
0x9: {  	[smem:$0x3FB0] =	sst s1  }
0xa: {  	[smem:$0x3FB1] =	sst s2  }
0xb: {  	[smem:$0x3FB2] =	sst s3  }
0xc: {  	[smem:$0x3FB3] =	sst s4  }
0xd: {  	[smem:$0x3FB4] =	sst s5  }
0xe: {  	[smem:$0x3FB5] =	sst s6  }
0xf: {  	[smem:$0x3FB6] =	sst s7  }
0x10: {  	[smem:$0x3FB7] =	sst s8  }
0x11: {  	[smem:$0x3FB8] =	sst s9;
	s0 =	simm.s32 @!p0 $0x0  }
0x12: {  	s1 =	sld [smem:$0x3F9E];
	s0 =	simm.s32 @p0 $0x1  }
0x13: {  	[smem:$0x3FB9] =	sst s0;
	s0 =	simm.s32 @!p1 $0x0  }
0x14: {  	s2 =	sld [smem:$0x3F9D];
	s0 =	simm.s32 @p1 $0x1  }
0x15: {  	[smem:$0x3FBA] =	sst s0;
	s0 =	simm.s32 @!p2 $0x0  }
0x16: {  	s3 =	sld [smem:$0x3FDB];
	s0 =	simm.s32 @p2 $0x1  }
0x17: {  	s4 =	simm.s32 $0x1BF5;
	[smem:$0x3FBC] =	sst s0  }
0x18: {  	s0 =	sld [smem:$0x3F9F];
	_ =	swait.ge [sflag:s4], $0x0  }
0x19: {  	s7 =	sld [smem:$0x3FA0]  }
0x1a: {  	s8 =	sadd.s32 $0xFFFFE003, lr  }
0x1b: {  	s9 =	sadd.s32 $0xFFFFFEF7, lr;
	s5 =	simm.s32 $0xFFFFFFFF;
	p2 =	slt.u32 s8, $0xFFFFF086  }
0x1c: {  	p1 =	slt.u32 s9, $0xF7A;
	s5 =	simm.s32 @!p2 $0x0  }
0x1d: {  	s5 =	simm.s32 @p1 $0x1;
	p0 =	seq.s32 s7, s2  }
0x1e: {  	s7 =	smul.u32 @!p0 $0xF7A, s2;
	p2 =	seq.s32 @!p0 s5, $0x0  }
0x1f: {  	s9 =	smul.u32 $0xF7A, s1;
	s8 =	simm.s32 @!p0 $0x1BF5;
	p2 =	por !p2, p0  }
0x20: {  	[sflag:s8] =	ssyncset.s32 @!p0 $0xFFFFF086;
	s6 =	sadd.s32 @!p0 s3, s7;
	s7 =	simm.s32 @!p0 $0x108  }
0x21: {  	s3 =	sadd.s32 s3, s9;
	s6 =	sadd.s32 @!p0 $0x88, s6;
	s7 =	simm.s32 @p2 $0x1082  }
0x22: {  	[simem:s7], [sflag:s8] =	dma.local @!p0 [hbm:s6], $0xF7A  }
0x23: {  	s9 =	sor.u32 $0xD0000000, s2;
	s6 =	simm.s32 $0x108;
	_ =	swait.ge @!p0 [sflag:s8], $0x0  }
0x24: {  	s3 =	sadd.s32 $0x88, s3;
	s6 =	simm.s32 @!p1 $0x1082;
	[sflag:s4] =	ssyncset.s32 $0xFFFFF086  }
0x25: {  	[simem:s6], [sflag:s4] =	dma.local [hbm:s3], $0xF7A  }
0x26: {  	[smem:$0x3FA0] =	sst s1;
	(tag) =	ssettag s2;
	_ =	strace s9  }
0x27: {  	s1 =	sld [smem:$0x3FB0]  }
0x28: {  	s2 =	sld [smem:$0x3FB1]  }
0x29: {  	s4 =	sld [smem:$0x3FB3]  }
0x2a: {  	p0 =	seq.s32 s5, $0x0;
	s5 =	sld [smem:$0x3FB4]  }
0x2b: {  	s6 =	sld [smem:$0x3FB5]  }
0x2c: {  	s7 =	sld [smem:$0x3FB6]  }
0x2d: {  	s3 =	simm.s32 $0x108;
	s8 =	sld [smem:$0x3FB7]  }
0x2e: {  	s3 =	simm.s32 @!p0 $0x1082;
	s9 =	sld [smem:$0x3FB8]  }
0x2f: {  	lr =	sadd.s32 s0, s3;
	s0 =	sld [smem:$0x3FAF]  }
0x30: {  	s3 =	sld [smem:$0x3FB2]  }
0x31: {  	[smem:$0x3FBB] =	sst s10  }
0x32: {  	s10 =	sld [smem:$0x3FB9];
	_ =	sdelay $0x3  }
0x33: {  	p0 =	seq.s32 s10, $0x1;
	s10 =	sld [smem:$0x3FBB];
	_ =	sdelay $0x3  }
0x34: {  	[smem:$0x3FBB] =	sst s10  }
0x35: {  	s10 =	sld [smem:$0x3FBA];
	_ =	sdelay $0x3  }
0x36: {  	p1 =	seq.s32 s10, $0x1;
	s10 =	sld [smem:$0x3FBB];
	_ =	sdelay $0x3  }
0x37: {  	[smem:$0x3FBB] =	sst s10  }
0x38: {  	s10 =	sld [smem:$0x3FBC]  }
0x39: {  	_ = 	snop;
	(pc) =	sbr.ind lr, $3  }
0x3a: {  	_ = 	snop  }
0x3b: {  	_ = 	snop  }
0x3c: {  	p2 =	seq.s32 s10, $0x1;
	s10 =	sld [smem:$0x3FBB]  }
0x3d: {  	_ =	shalt  }
0x3e: {  	_ =	shalt  }
0x3f: {  	_ =	shalt  }
0x40: {  	_ =	shalt  }
0x41: {  	_ =	shalt  }
0x42: {  	_ =	shalt  }
0x43: {  	_ =	shalt  }
0x44: {  	_ =	shalt  }
0x45: {  	_ =	shalt  }
0x46: {  	_ =	shalt  }
0x47: {  	_ =	shalt  }
0x48: {  	_ =	shalt  }
0x49: {  	_ =	shalt  }
0x4a: {  	_ =	shalt  }
0x4b: {  	_ =	shalt  }
0x4c: {  	_ =	shalt  }
0x4d: {  	_ =	shalt  }
0x4e: {  	_ =	shalt  }
0x4f: {  	_ =	shalt  }
0x50: {  	_ =	shalt  }
0x51: {  	_ =	shalt  }
0x52: {  	_ =	shalt  }
0x53: {  	_ =	shalt  }
0x54: {  	_ =	shalt  }
0x55: {  	_ =	shalt  }
0x56: {  	_ =	shalt  }
0x57: {  	_ =	shalt  }
0x58: {  	_ =	shalt  }
0x59: {  	_ =	shalt  }
0x5a: {  	_ =	shalt  }
0x5b: {  	_ =	shalt  }
0x5c: {  	_ =	shalt  }
0x5d: {  	_ =	shalt  }
0x5e: {  	_ =	shalt  }
0x5f: {  	_ =	shalt  }
0x60: {  	_ =	shalt  }
0x61: {  	_ =	shalt  }
0x62: {  	_ =	shalt  }
0x63: {  	_ =	shalt  }
0x64: {  	_ =	shalt  }
0x65: {  	_ =	shalt  }
0x66: {  	_ =	shalt  }
0x67: {  	_ =	shalt  }
0x68: {  	_ =	shalt  }
0x69: {  	_ =	shalt  }
0x6a: {  	_ =	shalt  }
0x6b: {  	_ =	shalt  }
0x6c: {  	_ =	shalt  }
0x6d: {  	_ =	shalt  }
0x6e: {  	_ =	shalt  }
0x6f: {  	_ =	shalt  }
0x70: {  	_ =	shalt  }
0x71: {  	_ =	shalt  }
0x72: {  	_ =	shalt  }
0x73: {  	_ =	shalt  }
0x74: {  	_ =	shalt  }
0x75: {  	_ =	shalt  }
0x76: {  	_ =	shalt  }
0x77: {  	_ =	shalt  }
0x78: {  	_ =	shalt  }
0x79: {  	_ =	shalt  }
0x7a: {  	_ =	shalt  }
0x7b: {  	_ =	shalt  }
0x7c: {  	_ =	shalt  }
0x7d: {  	_ =	shalt  }
0x7e: {  	_ =	shalt  }
0x7f: {  	_ =	shalt  }
0x80: {  	_ =	shalt  }
0x81: {  	_ =	shalt  }
0x82: {  	_ =	shalt  }
0x83: {  	_ =	shalt  }
0x84: {  	_ =	shalt  }
0x85: {  	_ =	shalt  }
0x86: {  	_ =	shalt  }
0x87: {  	_ =	shalt  }
.Lfunc_end0:
.L_simem_size_0:
called_computation_lowered:
.L_overlay_start_0:
0x88: {  	s2 =	sld [smem:$0x3FD9]  }
0x89: {  	s3 =	sld [smem:$0x3FFE];
	_ =	sdelay $0x1  }
0x8a: {  	s1 =	srdreg.scid  }
0x8b: {  	s0 =	sand.u32 $0x1, s1  }
0x8c: {  	s18 =	sshll.u32 s0, $0xA;
	s2 =	sadd.s32 s3, s2  }
0x8d: {  	s2 =	sadd.s32 s2, s18  }
0x8e: {  	[smem:$0x3FC7] =	sst s2  }
0x8f: {  	_ = 	snop  }
0x90: {  	s2 =	sld [smem:$0x3FC9]  }
0x91: {  	s19 =	sld [smem:$0x3FD0];
	(tm) =	ssettm $0x1  }
0x92: {  	s4 =	sld [smem:$0x3FFB];
	_ =	sdelay $0x3  }
0x93: {  	_ =	strace s4  }
0x94: {  	s4 =	sld [smem:$0x3FFC];
	_ =	sdelay $0x3  }
0x95: {  	_ =	strace s4  }
0x96: {  	s4 =	sld [smem:$0x3FFD];
	_ =	sdelay $0x3  }
0x97: {  	_ =	strace s4  }
0x98: {  	_ =	strace $0x8FFFFFFF  }
0x99: {  	s20 =	sld [smem:$0x3FDB];
	_ =	sdelay $0x1  }
0x9a: {  	s5 =	simm.s32 $_scs_section_size  }
0x9b: {  	s6 =	simm.s32 $_size__tile_overlayer_lowered;
	s7 =	simm.s32 $_tile_overlayer_lowered  }
0x9c: {  	s23 =	simm.s32 $0x1BFF;
	s22 =	sshll.u32 s7, $0x1;
	s4 =	sadd.s32 s5, s20  }
0x9d: {  	s8 =	simm.s32 $0x0;
	s21 =	sshll.u32 s6, $0x1;
	s6 =	sadd.s32 s22, s4  }
0x9e: {  	[timem:s8], [sflag:s23] =	dma.local [hbm:s6], s21  }
0x9f: {  	_ =	swait.ge [sflag:s23], s21  }
0xa0: {  	s5 =	ssub.s32 $0x0, s21;
	[sflag:s23] =	ssyncset.done $0x0  }
0xa1: {  	[sflag:s23] =	ssyncadd.s32 s5;
	_ =	sdelay $0x1  }
0xa2: {  	s24 =	simm.s32 $0x1B8B  }
0xa3: {  	_ =	swait.ge [sflag:s24], $0x1  }
0xa4: {  	[sflag:s24] =	ssyncset.done $0x0  }
0xa5: {  	s25 =	simm.s32 $0x1B8E;
	[sflag:s24] =	ssyncadd.s32 $0xFFFFFFFF  }
0xa6: {  	s26 =	simm.s32 $execute0_lowered;
	[smem:$0x3FD2] =	sst s25  }
0xa7: {  	s5 =	sshll.u32 s26, $0x1;
	_ =	strace $0x80000046;
	[dreg:$0x1] =	wrdreg $0xFFFFFFFF  }
0xa8: {  	s28 =	simm.s32 $_size_execute0_lowered;
	s4 =	sadd.s32 s4, s5;
	[dreg:$0x0] =	wrdreg $0x0  }
0xa9: {  	s5 =	sshll.u32 s28, $0x1;
	[dreg:$0x2] =	wrdreg s4  }
0xaa: {  	[dreg:$0x3] =	wrdreg s5  }
0xab: {  	[dreg:$0x4] =	wrdreg $0xC0  }
0xac: {  	_ =	task [dreg:s8], $0x5FFFF  }
0xad: {  	[dreg:$0x1] =	wrdreg $0xFFFFFFFF  }
0xae: {  	[dreg:$0x0] =	wrdreg $0x60  }
0xaf: {  	[dreg:$0x2] =	wrdreg s2  }
0xb0: {  	[dreg:$0x3] =	wrdreg s19  }
0xb1: {  	[dreg:$0x4] =	wrdreg $0x9  }
0xb2: {  	_ =	task.clear_ibuf [dreg:s8], $0x5FFFF;
	_ =	strace $0x90000046  }
0xb3: {  	s29 =	simm.s32 $0x9;
	_ =	strace $0x80000048  }
0xb4: {  	_ =	swait.ge [sflag:s29], $0x1  }
0xb5: {  	[sflag:s29] =	ssyncadd.s32 $0xFFFFFFFF  }
0xb6: {  	_ =	strace $0x90000048  }
0xb7: {  	_ =	sfence  }
0xb8: {  	s30 =	sld [smem:$0x0];
	_ =	sdelay $0x2  }
0xb9: {  	s31 =	sshll.u32 s1, $0xD;
	s1 =	sshrl.u32 s1, $0x2  }
0xba: {  	s3 =	sand.u32 $0x4000, s31;
	s1 =	sadd.s32 s1, s30  }
0xbb: {  	s0 =	sor.u32 s3, s0;
	s1 =	sshll.u32 s1, $0x11  }
0xbc: {  	s0 =	sor.u32 s1, s0  }
0xbd: {  	s0 =	sadd.s32 $0x8F2B, s0  }
0xbe: {  	[sflag:s0] =	ssyncadd.remote.s32 $0x1  }
0xbf: {  	_ =	sfence.sel $0xFFFF  }
0xc0: {  	[dreg:$0x0] =	wrdreg $0xFFFFFFFF;
	(pc) =	sbr.abs _section_cstart, $3  }
0xc1: {  	[dreg:$0x1] =	wrdreg $0xFFFFFFFF  }
0xc2: {  	_ =	task.clear_ibuf [dreg:s8], $0x2FFFF;
	_ =	strace $0x9FFFFFFF  }
0xc3: {  	(tm) =	ssettm $0x7FFFFFFF  }
tec
execute0_lowered:
.L_overlay_start_1:
0x0: {  	(tag) =	ssettag $0x1  }
0x1: {  	s1 =	srdreg.scid  }
0x2: {  	s0 =	stileid.u32;
	s15 =	sand.u32 $0x1, s1  }
0x3: {  	s2 =	sshll.u32 s0, $0x5;
	s1 =	sshll.u32 s15, $0x9  }
0x4: {  	s1 =	sor.u32 s2, s1  }
0x5: {  	s10 =	rddreg [dreg:$0x0];
	s3 =	smul.u32 $0x1800, s1  }
0x6: {  	s11 =	rddreg [dreg:$0x1];
	s2 =	simm.s32 $0x0  }
0x7: {  	s4 =	simm.s32 $0x1;
	[smem:$0x7FF] =	sst s2;
	s12 =	sshrl.u32 s3, $0x3  }
0x8: {  	s1 =	rddreg [dreg:$0x2];
	_ =	strace $0x80000047;
	s3 =	sadd.s32 s10, s12  }
0x9: {  	[tilespmem:s2], [sflag:$0x1] =	stream.linear.gather [hbm4b:s3+s2], $0x18000, $0x38;
	[tilespmem:$0x18000] =	vst v63  }
0xa: {  	_ =	swait.ge [sflag:s4], $0x18000  }
0xb: {  	[sflag:s4] =	ssyncset.done $0x0  }
0xc: {  	s5 =	sadd.s32 s11, s12;
	[sflag:s4] =	ssyncadd.s32 $0xFFFE8000  }
0xd: {  	[hbm4b:s5+s2] =	stream.linear.scatter [tilespmem:s2], [sflag:$0x2], $0x18000, $0x38;
	[tilespmem:$0x18000] =	vst v63  }
0xe: {  	s6 =	sadd.s32 $0xC0000, s5  }
0xf: {  	[hbm4b:s6+s2] =	stream.linear.scatter [tilespmem:s2], [sflag:$0x2], $0x18000, $0x38;
	[tilespmem:$0x18000] =	vst v63  }
0x10: {  	s7 =	sadd.s32 $0x180000, s5  }
0x11: {  	[hbm4b:s7+s2] =	stream.linear.scatter [tilespmem:s2], [sflag:$0x2], $0x18000, $0x38;
	[tilespmem:$0x18000] =	vst v63  }
0x12: {  	s8 =	simm.s32 $0x2;
	s9 =	sadd.s32 $0x240000, s5  }
0x13: {  	[hbm4b:s9+s2] =	stream.linear.scatter [tilespmem:s2], [sflag:$0x2], $0x18000, $0x38;
	[tilespmem:$0x18000] =	vst v63  }
0x14: {  	_ =	swait.ge [sflag:s8], $0x18000  }
0x15: {  	[sflag:s8] =	ssyncset.done $0x0  }
0x16: {  	[sflag:s8] =	ssyncadd.s32 $0xFFFE8000  }
0x17: {  	_ =	swait.ge [sflag:s8], $0x18000  }
0x18: {  	[sflag:s8] =	ssyncset.done $0x0  }
0x19: {  	[sflag:s8] =	ssyncadd.s32 $0xFFFE8000  }
0x1a: {  	_ =	swait.ge [sflag:s8], $0x18000  }
0x1b: {  	[sflag:s8] =	ssyncset.done $0x0  }
0x1c: {  	[sflag:s8] =	ssyncadd.s32 $0xFFFE8000  }
0x1d: {  	_ =	swait.ge [sflag:s8], $0x18000  }
0x1e: {  	s12 =	sadd.s32 $0x3000, s12;
	[sflag:s8] =	ssyncset.done $0x0  }
0x1f: {  	s10 =	sadd.s32 s10, s12;
	[sflag:s8] =	ssyncadd.s32 $0xFFFE8000  }
0x20: {  	[tilespmem:s2], [sflag:$0x1] =	stream.linear.gather [hbm4b:s10+s2], $0x18000, $0x38;
	[tilespmem:$0x18000] =	vst v63  }
0x21: {  	_ =	swait.ge [sflag:s4], $0x18000  }
0x22: {  	[sflag:s4] =	ssyncset.done $0x0  }
0x23: {  	s11 =	sadd.s32 s11, s12;
	[sflag:s4] =	ssyncadd.s32 $0xFFFE8000  }
0x24: {  	[hbm4b:s11+s2] =	stream.linear.scatter [tilespmem:s2], [sflag:$0x2], $0x18000, $0x38;
	[tilespmem:$0x18000] =	vst v63  }
0x25: {  	s12 =	sadd.s32 $0xC3000, s5  }
0x26: {  	[hbm4b:s12+s2] =	stream.linear.scatter [tilespmem:s2], [sflag:$0x2], $0x18000, $0x38;
	[tilespmem:$0x18000] =	vst v63  }
0x27: {  	s13 =	sadd.s32 $0x183000, s5  }
0x28: {  	[hbm4b:s13+s2] =	stream.linear.scatter [tilespmem:s2], [sflag:$0x2], $0x18000, $0x38;
	[tilespmem:$0x18000] =	vst v63  }
0x29: {  	s14 =	sadd.s32 $0x243000, s5  }
0x2a: {  	[hbm4b:s14+s2] =	stream.linear.scatter [tilespmem:s2], [sflag:$0x2], $0x18000, $0x38;
	[tilespmem:$0x18000] =	vst v63  }
0x2b: {  	_ =	swait.ge [sflag:s8], $0x18000  }
0x2c: {  	s15 =	ssub.s32 $0x2, s15;
	[sflag:s8] =	ssyncset.done $0x0  }
0x2d: {  	s16 =	sshrl.u32 s15, $0x1;
	[sflag:s8] =	ssyncadd.s32 $0xFFFE8000  }
0x2e: {  	s15 =	ssub.s32 s15, s16;
	_ =	swait.ge [sflag:s8], $0x18000  }
0x2f: {  	s15 =	smax.u32 s15, $0x1;
	[sflag:s8] =	ssyncset.done $0x0  }
0x30: {  	p0 =	sne.s32 s15, $0x1;
	[sflag:s8] =	ssyncadd.s32 $0xFFFE8000  }
.Ltmp0:
0x31: {  	_ =	swait.ge [sflag:s8], $0x18000;
	(pc) =	sbr.rel @!p0 .LBB2_2-.Ltmp0, $4  }
0x32: {  	[sflag:s8] =	ssyncset.done $0x0  }
0x33: {  	[sflag:s8] =	ssyncadd.s32 $0xFFFE8000  }
0x34: {  	_ =	swait.ge [sflag:s8], $0x18000  }
0x35: {  	s15 =	sadd.s32 $0xFFFFFFFF, s15;
	[sflag:s8] =	ssyncset.done $0x0  }
.LBB2_1:
0x36: {  	p0 =	sne.s32 s15, $0x1;
	s15 =	sadd.s32 $0xFFFFFFFF, s15;
	[sflag:s8] =	ssyncadd.s32 $0xFFFE8000  }
0x37: {  	[tilespmem:s2], [sflag:$0x1] =	stream.linear.gather [hbm4b:s3+s2], $0x18000, $0x38;
	[tilespmem:$0x18000] =	vst v63  }
0x38: {  	_ =	swait.ge [sflag:s4], $0x18000  }
0x39: {  	[sflag:s4] =	ssyncset.done $0x0  }
0x3a: {  	[sflag:s4] =	ssyncadd.s32 $0xFFFE8000  }
0x3b: {  	[hbm4b:s5+s2] =	stream.linear.scatter [tilespmem:s2], [sflag:$0x2], $0x18000, $0x38;
	[tilespmem:$0x18000] =	vst v63  }
0x3c: {  	_ = 	snop  }
0x3d: {  	[hbm4b:s6+s2] =	stream.linear.scatter [tilespmem:s2], [sflag:$0x2], $0x18000, $0x38;
	[tilespmem:$0x18000] =	vst v63  }
0x3e: {  	_ = 	snop  }
0x3f: {  	[hbm4b:s7+s2] =	stream.linear.scatter [tilespmem:s2], [sflag:$0x2], $0x18000, $0x38;
	[tilespmem:$0x18000] =	vst v63  }
0x40: {  	_ = 	snop  }
0x41: {  	[hbm4b:s9+s2] =	stream.linear.scatter [tilespmem:s2], [sflag:$0x2], $0x18000, $0x38;
	[tilespmem:$0x18000] =	vst v63  }
0x42: {  	_ =	swait.ge [sflag:s8], $0x18000  }
0x43: {  	[sflag:s8] =	ssyncset.done $0x0  }
0x44: {  	[sflag:s8] =	ssyncadd.s32 $0xFFFE8000  }
0x45: {  	_ =	swait.ge [sflag:s8], $0x18000  }
0x46: {  	[sflag:s8] =	ssyncset.done $0x0  }
0x47: {  	[sflag:s8] =	ssyncadd.s32 $0xFFFE8000  }
0x48: {  	_ =	swait.ge [sflag:s8], $0x18000  }
0x49: {  	[sflag:s8] =	ssyncset.done $0x0  }
0x4a: {  	[sflag:s8] =	ssyncadd.s32 $0xFFFE8000  }
0x4b: {  	_ =	swait.ge [sflag:s8], $0x18000  }
0x4c: {  	[sflag:s8] =	ssyncset.done $0x0  }
0x4d: {  	[sflag:s8] =	ssyncadd.s32 $0xFFFE8000  }
0x4e: {  	[tilespmem:s2], [sflag:$0x1] =	stream.linear.gather [hbm4b:s10+s2], $0x18000, $0x38;
	[tilespmem:$0x18000] =	vst v63  }
0x4f: {  	_ =	swait.ge [sflag:s4], $0x18000  }
0x50: {  	[sflag:s4] =	ssyncset.done $0x0  }
0x51: {  	[sflag:s4] =	ssyncadd.s32 $0xFFFE8000  }
0x52: {  	[hbm4b:s11+s2] =	stream.linear.scatter [tilespmem:s2], [sflag:$0x2], $0x18000, $0x38;
	[tilespmem:$0x18000] =	vst v63  }
0x53: {  	_ = 	snop  }
0x54: {  	[hbm4b:s12+s2] =	stream.linear.scatter [tilespmem:s2], [sflag:$0x2], $0x18000, $0x38;
	[tilespmem:$0x18000] =	vst v63  }
0x55: {  	_ = 	snop  }
0x56: {  	[hbm4b:s13+s2] =	stream.linear.scatter [tilespmem:s2], [sflag:$0x2], $0x18000, $0x38;
	[tilespmem:$0x18000] =	vst v63  }
0x57: {  	_ = 	snop  }
0x58: {  	[hbm4b:s14+s2] =	stream.linear.scatter [tilespmem:s2], [sflag:$0x2], $0x18000, $0x38;
	[tilespmem:$0x18000] =	vst v63  }
0x59: {  	_ =	swait.ge [sflag:s8], $0x18000  }
0x5a: {  	[sflag:s8] =	ssyncset.done $0x0  }
0x5b: {  	[sflag:s8] =	ssyncadd.s32 $0xFFFE8000  }
0x5c: {  	_ =	swait.ge [sflag:s8], $0x18000  }
0x5d: {  	[sflag:s8] =	ssyncset.done $0x0  }
0x5e: {  	[sflag:s8] =	ssyncadd.s32 $0xFFFE8000  }
.Ltmp1:
0x5f: {  	_ =	swait.ge [sflag:s8], $0x18000;
	(pc) =	sbr.rel @p0 .LBB2_1-.Ltmp1, $4  }
0x60: {  	[sflag:s8] =	ssyncset.done $0x0  }
0x61: {  	[sflag:s8] =	ssyncadd.s32 $0xFFFE8000  }
0x62: {  	_ =	swait.ge [sflag:s8], $0x18000  }
0x63: {  	[sflag:s8] =	ssyncset.done $0x0  }
.LBB2_2:
0x64: {  	[sflag:s8] =	ssyncadd.s32 $0xFFFE8000  }
0x65: {  	_ =	sfence.sel $0x180000  }
0x66: {  	[bflag:$0x0] =	sbarrier.arrive $0xFFFF  }
0x67: {  	p0 =	sne.s32 s0, $0x0;
	_ =	strace $0x90000047  }
0x68: {  	s0 =	sadd.s32 @!p0 $0x100000, s1;
	[bflag:$0x2] =	sbarrier.arrive $0xFFFF  }
0x69: {  	[sflag:s0] =	ssyncadd.tile.s32 @!p0 $0x1;
	_ =	shalt  }
.Lfunc_end2:
_tile_overlayer_lowered:
.L_overlay_start_2:
0x6a: {  	(tag) =	ssettag $0x2  }
0x6b: {  	s0 =	rddreg [dreg:$0x0];
	s2 =	stileid.u32  }
0x6c: {  	s1 =	rddreg [dreg:$0x1];
	p0 =	sne.s32 s2, $0x0  }
0x6d: {  	s3 =	rddreg [dreg:$0x2];
	[bflag:$0x3] =	sbarrier.arrive $0xFFFF;
	s2 =	simm.s32 @!p0 $0x1C03  }
0x6e: {  	[timem:s3], [sflag:s2] =	dma.local @!p0 [hbm:s0], s1  }
0x6f: {  	s0 =	simm.s32 @!p0 $0x3  }
0x70: {  	_ =	swait.ge @!p0 [sflag:s0], s1  }
0x71: {  	s1 =	ssub.s32 @!p0 $0x0, s1;
	[sflag:s0] =	ssyncset.done @!p0 $0x0  }
0x72: {  	[sflag:s0] =	ssyncadd.s32 @!p0 s1  }
0x73: {  	[bflag:$0x3] =	sbarrier.arrive $0xFFFF  }
0x74: {  	_ =	shalt  }

</sc_bundles>
